<compile_context>
chip_gen: v7x
topology: tpu7x:2x2x1
jax: 0.10.2.dev20260603
libtpu: 0.0.44.dev20260713+nightly
codegen_flags: <defaults>
</compile_context>

<pallas_src>
import functools

import jax
import jax.numpy as jnp
import numpy as np
from jax import lax
from jax.experimental import pallas as pl
from jax.experimental.pallas import tpu as pltpu
from jax.experimental.pallas import tpu_sc as plsc

_NUM_SPHERICAL = 7
_NUM_RADIAL = 6
_CUTOFF = 5.0
_ENVELOPE_EXPONENT = 5
_M = 800000
_K = 800000



def _jn_np(r, n):
    r = np.asarray(r, dtype=np.float64)
    j0 = np.sin(r) / r
    if n == 0:
        return j0
    j1 = np.sin(r) / r ** 2 - np.cos(r) / r
    if n == 1:
        return j1
    jm1, jc = j0, j1
    for l in range(1, n):
        jp1 = (2 * l + 1) / r * jc - jm1
        jm1, jc = jc, jp1
    return jc


def _bisect_root(n, a, b, iters=200):
    fa = _jn_np(a, n)
    for _ in range(iters):
        m = 0.5 * (a + b)
        fm = _jn_np(m, n)
        if fm == 0.0:
            return m
        if np.sign(fm) == np.sign(fa):
            a, fa = m, fm
        else:
            b = m
    return 0.5 * (a + b)


def _bessel_zeros(n, k):
    zerosj = np.zeros((n, k), dtype=np.float64)
    zerosj[0] = np.arange(1, k + 1) * np.pi
    points = np.arange(1, k + n) * np.pi
    for i in range(1, n):
        racines = np.zeros(k + n - 1 - i, dtype=np.float64)
        for j in range(k + n - 1 - i):
            racines[j] = _bisect_root(i, points[j], points[j + 1])
        points = racines
        zerosj[i][:k] = racines[:k]
    return zerosj


def _bessel_norm(n, k, zeros):
    normalizer = []
    for order in range(n):
        row = []
        for i in range(k):
            row.append(0.5 * _jn_np(zeros[order, i], order + 1) ** 2)
        normalizer.append(1.0 / np.array(row) ** 0.5)
    return np.array(normalizer)


_ZEROS64 = _bessel_zeros(_NUM_SPHERICAL, _NUM_RADIAL)
_NORM64 = _bessel_norm(_NUM_SPHERICAL, _NUM_RADIAL, _ZEROS64)

_ZSCALED_FLAT = (np.float32(1.0 / _CUTOFF) * np.float32(_ZEROS64)).reshape(1, -1)
_NORM_FLAT = np.float32(_NORM64.reshape(1, -1))
_PREF64 = np.sqrt((2 * np.arange(_NUM_SPHERICAL) + 1) / (4.0 * np.pi))
_PREF_FLAT = np.float32(np.repeat(_PREF64, _NUM_RADIAL).reshape(1, -1))



_NC, _NS = 2, 16
_NW = _NC * _NS
_B_PER_W = _K // _NW

@functools.cache
def _make_sc_gather():
    mesh = plsc.VectorSubcoreMesh(core_axis_name="c", subcore_axis_name="s")

    @functools.partial(
        pl.kernel,
        out_type=jax.ShapeDtypeStruct((_K,), jnp.float32),
        mesh=mesh,
        scratch_types=[
            pltpu.VMEM((_B_PER_W,), jnp.int32),
            pltpu.VMEM((_B_PER_W,), jnp.float32),
            pltpu.SemaphoreType.DMA,
        ],
    )
    def _sc_gather(table_hbm, idx_hbm, out_hbm, idx_v, vals_v, sem):
        wid = lax.axis_index("s") * _NC + lax.axis_index("c")
        base = wid * _B_PER_W
        pltpu.sync_copy(idx_hbm.at[pl.ds(base, _B_PER_W)], idx_v)
        pltpu.async_copy(table_hbm.at[idx_v], vals_v, sem).wait()
        pltpu.sync_copy(vals_v, out_hbm.at[pl.ds(base, _B_PER_W)])

    return _sc_gather



_NCOLS = _NUM_SPHERICAL * _NUM_RADIAL
_NROWS = 8 * _NUM_SPHERICAL
_BR = 16000
_GRID = _K // _BR


def _tc_body(d_ref, th_ref, zeros_ref, norm_ref, pref_ref, o_ref):
    zs_c = zeros_ref[...]
    norm_c = norm_ref[...]
    pref_c = pref_ref[...]

    d_row = d_ref[...]
    d5 = d_row * (1.0 / _CUTOFF)
    x = d_row * zs_c

    xa = x[:24]
    k = jnp.floor(xa * float(1.0 / np.pi) + 0.5)
    y = (xa - k * 3.140625) - k * float(np.pi - 3.140625)
    sgn = 1.0 - 2.0 * k
    z = y * y
    s_poly = (y * (1.0 + z * (-1.6666667e-1 + z * (8.3333310e-3 + z *
              (-1.9840874e-4 + z * 2.7525562e-6))))) * sgn
    s = jnp.concatenate([s_poly, jnp.sin(x[24:])], axis=0)

    j0 = s / x
    x1 = x[8:]
    s1 = s[8:]
    zc = z[8:]
    c_poly = (1.0 + zc * (-0.5 + zc * (4.1666642e-2 + zc * (-1.3887316e-3 +
              zc * 2.4433157e-5)))) * sgn[8:]
    c1 = jnp.concatenate([c_poly, jnp.cos(x[24:])], axis=0)
    j1 = s1 / jnp.square(x1) - c1 / x1
    parts = [j0[:8], j1[:8]]
    j_prev = j0[16:]
    j_cur = j1[8:]
    for i in range(1, _NUM_SPHERICAL - 1):
        xs = x[8 * (i + 1):]
        j_next = (2 * i + 1) / xs * j_cur - j_prev
        parts.append(j_next[:8])
        j_prev = j_cur[8:]
        j_cur = j_next[8:]
    out_j = jnp.concatenate(parts, axis=0)
    rbf = norm_c * out_j

    ct = jnp.cos(th_ref[...])
    pvals = [jnp.ones_like(ct), ct]
    p_prev, p_cur = pvals[0], pvals[1]
    for i in range(1, _NUM_SPHERICAL - 1):
        p_next = ((2 * i + 1) * ct * p_cur - i * p_prev) / (i + 1)
        p_prev, p_cur = p_cur, p_next
        pvals.append(p_cur)
    out_p = jnp.concatenate(
        [jnp.broadcast_to(pv, (8, pv.shape[1])) for pv in pvals], axis=0)
    cbf = pref_c * out_p

    p = _ENVELOPE_EXPONENT + 1
    ea = -(p + 1) * (p + 2) / 2.0
    eb = p * (p + 2)
    ec = -p * (p + 1) / 2.0
    env = 1.0 / d5 + ea * d5 ** (p - 1) + eb * d5 ** p + ec * d5 ** (p + 1)
    env = jnp.where(d5 < 1.0, env, jnp.zeros_like(env))

    t = (env * rbf) * cbf
    t48 = jnp.concatenate(
        [t[8 * n:8 * n + 6] for n in range(_NUM_SPHERICAL)] + [t[:6]], axis=0)
    o_ref[...] = jnp.transpose(t48)[:, :_NCOLS]


_tc_basis = pl.pallas_call(
    _tc_body,
    grid=(_GRID,),
    in_specs=[
        pl.BlockSpec((1, _BR), lambda i: (0, i)),
        pl.BlockSpec((1, _BR), lambda i: (0, i)),
        pl.BlockSpec((_NROWS, 1), lambda i: (0, 0)),
        pl.BlockSpec((_NROWS, 1), lambda i: (0, 0)),
        pl.BlockSpec((_NROWS, 1), lambda i: (0, 0)),
    ],
    out_specs=pl.BlockSpec((_BR, _NCOLS), lambda i: (i, 0)),
    out_shape=jax.ShapeDtypeStruct((_K, _NCOLS), jnp.float32),
)


def _pad56(a, pad):
    out = np.full((_NROWS, 1), pad, dtype=np.float32)
    out.reshape(_NUM_SPHERICAL, 8)[:, :_NUM_RADIAL] = (
        a.reshape(_NUM_SPHERICAL, _NUM_RADIAL))
    return out


_ZS_COL = _pad56(_ZSCALED_FLAT, 1.0)
_NORM_COL = _pad56(_NORM_FLAT, 0.0)
_PREF_COL = _pad56(_PREF_FLAT, 0.0)


def kernel(edge, angles, angle_index):
    table = edge.reshape(_M)
    idx = angle_index[1]
    d_gathered = _make_sc_gather()(table, idx)
    return _tc_basis(d_gathered.reshape(1, _K), angles.reshape(1, _K),
                     jnp.asarray(_ZS_COL), jnp.asarray(_NORM_COL),
                     jnp.asarray(_PREF_COL))

# --- scband reference (transcript-rebuilt; emitter-appended) ---
"""Pipeline reference for scband-spherical-basis-layer-67559835566340 (READ-ONLY COPY).

The authoritative reference and input builder live on the scoring server;
editing this copy changes nothing except your own understanding.
"""

import jax, jax.numpy as jnp
import numpy as np

NUM_SPHERICAL = 7
NUM_RADIAL = 6
CUTOFF = 5.0
ENVELOPE_EXPONENT = 5
M_EDGES = 800000
K_ANGLES = 800000


def _sph_jn_np(r, n):
    r = np.asarray(r, dtype=np.float64)
    j0 = np.sin(r) / r
    if n == 0:
        return j0
    j1 = np.sin(r) / r ** 2 - np.cos(r) / r
    if n == 1:
        return j1
    jm1, jc = j0, j1
    for l in range(1, n):
        jp1 = (2 * l + 1) / r * jc - jm1
        jm1, jc = jc, jp1
    return jc


def _bisect(n, a, b, iters=200):
    fa = _sph_jn_np(a, n)
    for _ in range(iters):
        m = 0.5 * (a + b)
        fm = _sph_jn_np(m, n)
        if fm == 0.0:
            return m
        if np.sign(fm) == np.sign(fa):
            a, fa = m, fm
        else:
            b = m
    return 0.5 * (a + b)


def spherical_bessel_jn_zeros(n, k):
    zerosj = np.zeros((n, k), dtype=np.float64)
    zerosj[0] = np.arange(1, k + 1) * np.pi
    points = np.arange(1, k + n) * np.pi
    for i in range(1, n):
        racines = np.zeros(k + n - 1 - i, dtype=np.float64)
        for j in range(k + n - 1 - i):
            racines[j] = _bisect(i, points[j], points[j + 1])
        points = racines
        zerosj[i][:k] = racines[:k]
    return zerosj


def spherical_bessel_jn_normalization_prefactor(n, k):
    zeros = spherical_bessel_jn_zeros(n, k)
    normalizer = []
    for order in range(n):
        row = []
        for i in range(k):
            row.append(0.5 * _sph_jn_np(zeros[order, i], order + 1) ** 2)
        normalizer.append(1.0 / np.array(row) ** 0.5)
    return np.array(normalizer)


BESSEL_ZEROS = spherical_bessel_jn_zeros(NUM_SPHERICAL, NUM_RADIAL)
BESSEL_NORM = spherical_bessel_jn_normalization_prefactor(NUM_SPHERICAL, NUM_RADIAL)


def _sph_jn_jax(x, n):
    if n == 0:
        return jnp.sin(x) / x
    j_n = jnp.sin(x) / x
    j_nn = jnp.sin(x) / jnp.square(x) - jnp.cos(x) / x
    if n == 1:
        return j_nn
    for i in range(1, n):
        temp = j_nn
        j_nn = (2 * i + 1) / x * j_nn - j_n
        j_n = temp
    return j_nn


def _sph_yl_jax(theta, l):
    x = jnp.cos(theta)
    pref = float(np.sqrt((2 * l + 1) / (4.0 * np.pi)))
    if l == 0:
        return pref * jnp.ones_like(x)
    pm1 = jnp.ones_like(x)
    pl = x
    for i in range(1, l):
        pnew = ((2 * i + 1) * x * pl - i * pm1) / (i + 1)
        pm1, pl = pl, pnew
    return pref * pl


def _envelope(x):
    p = ENVELOPE_EXPONENT + 1
    a = -(p + 1) * (p + 2) / 2.0
    b = p * (p + 2)
    c = -p * (p + 1) / 2.0
    env_val = 1.0 / x + a * x ** (p - 1) + b * x ** p + c * x ** (p + 1)
    return jnp.where(x < 1, env_val, jnp.zeros_like(x))


def setup_inputs(seed: int = 0) -> dict:
    key = jax.random.key(seed)
    k1, k2, k3 = jax.random.split(key, 3)
    edge = jax.random.uniform(k1, (M_EDGES, 1), dtype=jnp.float32, minval=0.05, maxval=4.95)
    angles = jax.random.uniform(k2, (K_ANGLES, 1), dtype=jnp.float32, minval=0.0, maxval=float(np.pi))
    angle_index = jax.random.randint(k3, (2, K_ANGLES), 0, M_EDGES, dtype=jnp.int32)
    return {"edge": edge, "angles": angles, "angle_index": angle_index}


def reference(edge, angles, angle_index):
    inv_cutoff = 1.0 / CUTOFF
    d_scaled = edge[:, 0] * inv_cutoff
    rbf = []
    for n in range(NUM_SPHERICAL):
        for k in range(NUM_RADIAL):
            rbf.append(float(BESSEL_NORM[n, k]) * _sph_jn_jax(d_scaled * float(BESSEL_ZEROS[n, k]), n))
    rbf = jnp.stack(rbf, axis=1)
    d_cutoff = _envelope(d_scaled)
    rbf_env = d_cutoff[:, None] * rbf
    rbf_env = jnp.take(rbf_env, angle_index[1], axis=0)
    cbf = jnp.stack([_sph_yl_jax(angles[:, 0], l) for l in range(NUM_SPHERICAL)], axis=1)
    cbf = jnp.repeat(cbf, NUM_RADIAL, axis=1)
    return rbf_env * cbf

if __name__ == "__main__":
    import jax
    _d = setup_inputs()
    print(jax.jit(kernel)(*tuple(_d.values())))

</pallas_src>

<mosaic_0001>
#map = affine_map<(d0, d1) -> (0)>
module attributes {stable_mosaic.version = 14 : i64} {
  func.func @_sc_gather(%arg0: i32, %arg1: i32, %arg2: memref<800000xf32, #tpu.memory_space<hbm>>, %arg3: memref<800000xi32, #tpu.memory_space<hbm>>, %arg4: memref<800000xf32, #tpu.memory_space<hbm>>, %arg5: memref<25000xi32, #tpu.memory_space<vmem>>, %arg6: memref<25000xf32, #tpu.memory_space<vmem>>, %arg7: memref<!tpu.dma_semaphore, #tpu.memory_space<semaphore_mem>>) attributes {dimension_semantics = [#tpu.dimension_semantics<core_parallel>, #tpu.dimension_semantics<subcore_parallel>], iteration_bounds = array<i64: 2, 16>, scalar_prefetch = 0 : i64, scratch_operands = 3 : i64, tpu.core_type = #tpu.core_type<sc_vector_subcore>, window_params = [{transform_indices = #map}, {transform_indices = #map}, {transform_indices = #map}]} {
    %mul3A = arith.constant 2 : i32
    %mul3A_0 = arith.muli %arg1, %mul3A : i32
    %add3A = arith.addi %mul3A_0, %arg0 : i32
    %mul3A_1 = arith.constant 25000 : i32
    %mul3A_2 = arith.muli %add3A, %mul3A_1 : i32
    "tpu.region"() ({
      %run_scoped3A = tpu.sem_alloc : memref<!tpu.dma_semaphore, #tpu.memory_space<semaphore_mem>>
      %dma_start3A_5 = tpu.memref_slice %arg3[%mul3A_2] : memref<800000xi32, #tpu.memory_space<hbm>> -> memref<25000xi32, #tpu.memory_space<hbm>>
      %dma_start3A_6 = tpu.memref_slice %arg3[%mul3A_2] : memref<800000xi32, #tpu.memory_space<hbm>> -> memref<25000xi32, #tpu.memory_space<hbm>>
      tpu.enqueue_dma source(%dma_start3A_6 : memref<25000xi32, #tpu.memory_space<hbm>>) target(%arg5 : memref<25000xi32, #tpu.memory_space<vmem>>) target_semaphore(%run_scoped3A : memref<!tpu.dma_semaphore, #tpu.memory_space<semaphore_mem>>)
      %dma_wait3A_7 = tpu.memref_slice %arg3[%mul3A_2] : memref<800000xi32, #tpu.memory_space<hbm>> -> memref<25000xi32, #tpu.memory_space<hbm>>
      %dma_wait3A_8 = tpu.memref_slice %arg3[%mul3A_2] : memref<800000xi32, #tpu.memory_space<hbm>> -> memref<25000xi32, #tpu.memory_space<hbm>>
      tpu.wait_dma2 semaphore(%run_scoped3A : memref<!tpu.dma_semaphore, #tpu.memory_space<semaphore_mem>>) src(%dma_wait3A_8 : memref<25000xi32, #tpu.memory_space<hbm>>) dst(%arg5 : memref<25000xi32, #tpu.memory_space<vmem>>)
      tpu.yield
    }) : () -> ()
    %dma_start3A = arith.constant 0 : i32
    %dma_start3A_3 = tpu.memref_slice %arg2[%dma_start3A] : memref<800000xf32, #tpu.memory_space<hbm>> -> memref<800000xf32, #tpu.memory_space<hbm>>
    tpu.enqueue_indirect_dma source(%dma_start3A_3 : memref<800000xf32, #tpu.memory_space<hbm>>) target(%arg6 : memref<25000xf32, #tpu.memory_space<vmem>>) offsets(%arg5 : memref<25000xi32, #tpu.memory_space<vmem>>) semaphore(%arg7 : memref<!tpu.dma_semaphore, #tpu.memory_space<semaphore_mem>>)
    %dma_wait3A = arith.constant 0 : i32
    %dma_wait3A_4 = tpu.memref_slice %arg2[%dma_wait3A] : memref<800000xf32, #tpu.memory_space<hbm>> -> memref<800000xf32, #tpu.memory_space<hbm>>
    tpu.wait_indirect_dma semaphore(%arg7 : memref<!tpu.dma_semaphore, #tpu.memory_space<semaphore_mem>>) src(%dma_wait3A_4 : memref<800000xf32, #tpu.memory_space<hbm>>) dst(%arg6 : memref<25000xf32, #tpu.memory_space<vmem>>)
    "tpu.region"() ({
      %run_scoped3A = tpu.sem_alloc : memref<!tpu.dma_semaphore, #tpu.memory_space<semaphore_mem>>
      %dma_start3A_5 = tpu.memref_slice %arg4[%mul3A_2] : memref<800000xf32, #tpu.memory_space<hbm>> -> memref<25000xf32, #tpu.memory_space<hbm>>
      %dma_start3A_6 = tpu.memref_slice %arg4[%mul3A_2] : memref<800000xf32, #tpu.memory_space<hbm>> -> memref<25000xf32, #tpu.memory_space<hbm>>
      tpu.enqueue_dma source(%arg6 : memref<25000xf32, #tpu.memory_space<vmem>>) target(%dma_start3A_6 : memref<25000xf32, #tpu.memory_space<hbm>>) target_semaphore(%run_scoped3A : memref<!tpu.dma_semaphore, #tpu.memory_space<semaphore_mem>>)
      %dma_wait3A_7 = tpu.memref_slice %arg4[%mul3A_2] : memref<800000xf32, #tpu.memory_space<hbm>> -> memref<25000xf32, #tpu.memory_space<hbm>>
      %dma_wait3A_8 = tpu.memref_slice %arg4[%mul3A_2] : memref<800000xf32, #tpu.memory_space<hbm>> -> memref<25000xf32, #tpu.memory_space<hbm>>
      tpu.wait_dma2 semaphore(%run_scoped3A : memref<!tpu.dma_semaphore, #tpu.memory_space<semaphore_mem>>) src(%arg6 : memref<25000xf32, #tpu.memory_space<vmem>>) dst(%dma_wait3A_8 : memref<25000xf32, #tpu.memory_space<hbm>>)
      tpu.yield
    }) : () -> ()
    return
  }
}

module attributes {stable_mosaic.version = 14 : i64} {
  func.func @_tc_body(%arg0: i32, %arg1: memref<1x16000xf32, #tpu.memory_space<vmem>>, %arg2: memref<1x16000xf32, #tpu.memory_space<vmem>>, %arg3: memref<56x1xf32, #tpu.memory_space<vmem>>, %arg4: memref<56x1xf32, #tpu.memory_space<vmem>>, %arg5: memref<56x1xf32, #tpu.memory_space<vmem>>, %arg6: memref<16000x42xf32, #tpu.memory_space<vmem>>) attributes {dimension_semantics = [#tpu.dimension_semantics<arbitrary>], iteration_bounds = array<i64: 50>, scalar_prefetch = 0 : i64, scratch_operands = 0 : i64, tpu.core_type = #tpu.core_type<tc>, window_params = [{transform_indices = @transform_0, window_bounds = array<i64: 1, 16000>}, {transform_indices = @transform_1, window_bounds = array<i64: 1, 16000>}, {pipeline_mode = #tpu.pipeline_mode<synchronous>, transform_indices = @transform_2, window_bounds = array<i64: 56, 1>}, {pipeline_mode = #tpu.pipeline_mode<synchronous>, transform_indices = @transform_3, window_bounds = array<i64: 56, 1>}, {pipeline_mode = #tpu.pipeline_mode<synchronous>, transform_indices = @transform_4, window_bounds = array<i64: 56, 1>}, {transform_indices = @transform_5, window_bounds = array<i64: 16000, 42>}]} {
    %get3A = arith.constant 0 : index
    %get3A_0 = arith.constant 0 : index
    %get3A_1 = vector.load %arg3[%get3A, %get3A_0] : memref<56x1xf32, #tpu.memory_space<vmem>>, vector<56x1xf32>
    %get3A_2 = arith.constant 0 : index
    %get3A_3 = arith.constant 0 : index
    %get3A_4 = vector.load %arg4[%get3A_2, %get3A_3] : memref<56x1xf32, #tpu.memory_space<vmem>>, vector<56x1xf32>
    %get3A_5 = arith.constant 0 : index
    %get3A_6 = arith.constant 0 : index
    %get3A_7 = vector.load %arg5[%get3A_5, %get3A_6] : memref<56x1xf32, #tpu.memory_space<vmem>>, vector<56x1xf32>
    %get3A_8 = arith.constant 0 : index
    %get3A_9 = arith.constant 0 : index
    %get3A_10 = vector.load %arg1[%get3A_8, %get3A_9] : memref<1x16000xf32, #tpu.memory_space<vmem>>, vector<1x16000xf32>
    %mul3A = arith.constant 2.000000e-01 : f32
    %mul3A_11 = vector.broadcast %mul3A : f32 to vector<1x16000xf32>
    %mul3A_12 = arith.mulf %get3A_10, %mul3A_11 : vector<1x16000xf32>
    %mul3A_13 = vector.broadcast %get3A_10 : vector<1x16000xf32> to vector<56x16000xf32>
    %mul3A_14 = vector.broadcast %get3A_1 : vector<56x1xf32> to vector<56x16000xf32>
    %mul3A_15 = arith.mulf %mul3A_13, %mul3A_14 : vector<56x16000xf32>
    %slice3A = vector.extract_strided_slice %mul3A_15 {offsets = [0, 0], sizes = [24, 16000], strides = [1, 1]} : vector<56x16000xf32> to vector<24x16000xf32>
    %mul3A_16 = arith.constant 0.318309873 : f32
    %mul3A_17 = vector.broadcast %mul3A_16 : f32 to vector<24x16000xf32>
    %mul3A_18 = arith.mulf %slice3A, %mul3A_17 : vector<24x16000xf32>
    %add3A = arith.constant 5.000000e-01 : f32
    %add3A_19 = vector.broadcast %add3A : f32 to vector<24x16000xf32>
    %add3A_20 = arith.addf %mul3A_18, %add3A_19 : vector<24x16000xf32>
    %floor3A = math.floor %add3A_20 : vector<24x16000xf32>
    %mul3A_21 = arith.constant 3.140625 : f32
    %mul3A_22 = vector.broadcast %mul3A_21 : f32 to vector<24x16000xf32>
    %mul3A_23 = arith.mulf %floor3A, %mul3A_22 : vector<24x16000xf32>
    %sub3A = arith.subf %slice3A, %mul3A_23 : vector<24x16000xf32>
    %mul3A_24 = arith.constant 9.67653584E-4 : f32
    %mul3A_25 = vector.broadcast %mul3A_24 : f32 to vector<24x16000xf32>
    %mul3A_26 = arith.mulf %floor3A, %mul3A_25 : vector<24x16000xf32>
    %sub3A_27 = arith.subf %sub3A, %mul3A_26 : vector<24x16000xf32>
    %mul3A_28 = arith.constant 2.000000e+00 : f32
    %mul3A_29 = vector.broadcast %mul3A_28 : f32 to vector<24x16000xf32>
    %mul3A_30 = arith.mulf %mul3A_29, %floor3A : vector<24x16000xf32>
    %sub3A_31 = arith.constant 1.000000e+00 : f32
    %sub3A_32 = vector.broadcast %sub3A_31 : f32 to vector<24x16000xf32>
    %sub3A_33 = arith.subf %sub3A_32, %mul3A_30 : vector<24x16000xf32>
    %mul3A_34 = arith.mulf %sub3A_27, %sub3A_27 : vector<24x16000xf32>
    %mul3A_35 = arith.constant 2.75255616E-6 : f32
    %mul3A_36 = vector.broadcast %mul3A_35 : f32 to vector<24x16000xf32>
    %mul3A_37 = arith.mulf %mul3A_34, %mul3A_36 : vector<24x16000xf32>
    %add3A_38 = arith.constant -1.98408743E-4 : f32
    %add3A_39 = vector.broadcast %add3A_38 : f32 to vector<24x16000xf32>
    %add3A_40 = arith.addf %add3A_39, %mul3A_37 : vector<24x16000xf32>
    %mul3A_41 = arith.mulf %mul3A_34, %add3A_40 : vector<24x16000xf32>
    %add3A_42 = arith.constant 0.00833333097 : f32
    %add3A_43 = vector.broadcast %add3A_42 : f32 to vector<24x16000xf32>
    %add3A_44 = arith.addf %add3A_43, %mul3A_41 : vector<24x16000xf32>
    %mul3A_45 = arith.mulf %mul3A_34, %add3A_44 : vector<24x16000xf32>
    %add3A_46 = arith.constant -0.166666672 : f32
    %add3A_47 = vector.broadcast %add3A_46 : f32 to vector<24x16000xf32>
    %add3A_48 = arith.addf %add3A_47, %mul3A_45 : vector<24x16000xf32>
    %mul3A_49 = arith.mulf %mul3A_34, %add3A_48 : vector<24x16000xf32>
    %add3A_50 = arith.constant 1.000000e+00 : f32
    %add3A_51 = vector.broadcast %add3A_50 : f32 to vector<24x16000xf32>
    %add3A_52 = arith.addf %add3A_51, %mul3A_49 : vector<24x16000xf32>
    %mul3A_53 = arith.mulf %sub3A_27, %add3A_52 : vector<24x16000xf32>
    %mul3A_54 = arith.mulf %mul3A_53, %sub3A_33 : vector<24x16000xf32>
    %slice3A_55 = vector.extract_strided_slice %mul3A_15 {offsets = [24, 0], sizes = [32, 16000], strides = [1, 1]} : vector<56x16000xf32> to vector<32x16000xf32>
    %sin3A = math.sin %slice3A_55 : vector<32x16000xf32>
    %concatenate3A = tpu.concatenate %mul3A_54, %sin3A in 0 : vector<24x16000xf32>, vector<32x16000xf32> -> vector<56x16000xf32>
    %div3A = arith.divf %concatenate3A, %mul3A_15 : vector<56x16000xf32>
    %slice3A_56 = vector.extract_strided_slice %mul3A_15 {offsets = [8, 0], sizes = [48, 16000], strides = [1, 1]} : vector<56x16000xf32> to vector<48x16000xf32>
    %slice3A_57 = vector.extract_strided_slice %concatenate3A {offsets = [8, 0], sizes = [48, 16000], strides = [1, 1]} : vector<56x16000xf32> to vector<48x16000xf32>
    %slice3A_58 = vector.extract_strided_slice %mul3A_34 {offsets = [8, 0], sizes = [16, 16000], strides = [1, 1]} : vector<24x16000xf32> to vector<16x16000xf32>
    %mul3A_59 = arith.constant 2.44331568E-5 : f32
    %mul3A_60 = vector.broadcast %mul3A_59 : f32 to vector<16x16000xf32>
    %mul3A_61 = arith.mulf %slice3A_58, %mul3A_60 : vector<16x16000xf32>
    %add3A_62 = arith.constant -0.00138873165 : f32
    %add3A_63 = vector.broadcast %add3A_62 : f32 to vector<16x16000xf32>
    %add3A_64 = arith.addf %add3A_63, %mul3A_61 : vector<16x16000xf32>
    %mul3A_65 = arith.mulf %slice3A_58, %add3A_64 : vector<16x16000xf32>
    %add3A_66 = arith.constant 0.0416666418 : f32
    %add3A_67 = vector.broadcast %add3A_66 : f32 to vector<16x16000xf32>
    %add3A_68 = arith.addf %add3A_67, %mul3A_65 : vector<16x16000xf32>
    %mul3A_69 = arith.mulf %slice3A_58, %add3A_68 : vector<16x16000xf32>
    %add3A_70 = arith.constant -5.000000e-01 : f32
    %add3A_71 = vector.broadcast %add3A_70 : f32 to vector<16x16000xf32>
    %add3A_72 = arith.addf %add3A_71, %mul3A_69 : vector<16x16000xf32>
    %mul3A_73 = arith.mulf %slice3A_58, %add3A_72 : vector<16x16000xf32>
    %add3A_74 = arith.constant 1.000000e+00 : f32
    %add3A_75 = vector.broadcast %add3A_74 : f32 to vector<16x16000xf32>
    %add3A_76 = arith.addf %add3A_75, %mul3A_73 : vector<16x16000xf32>
    %slice3A_77 = vector.extract_strided_slice %sub3A_33 {offsets = [8, 0], sizes = [16, 16000], strides = [1, 1]} : vector<24x16000xf32> to vector<16x16000xf32>
    %mul3A_78 = arith.mulf %add3A_76, %slice3A_77 : vector<16x16000xf32>
    %slice3A_79 = vector.extract_strided_slice %mul3A_15 {offsets = [24, 0], sizes = [32, 16000], strides = [1, 1]} : vector<56x16000xf32> to vector<32x16000xf32>
    %cos3A = math.cos %slice3A_79 : vector<32x16000xf32>
    %concatenate3A_80 = tpu.concatenate %mul3A_78, %cos3A in 0 : vector<16x16000xf32>, vector<32x16000xf32> -> vector<48x16000xf32>
    %square3A = arith.mulf %slice3A_56, %slice3A_56 : vector<48x16000xf32>
    %div3A_81 = arith.divf %slice3A_57, %square3A : vector<48x16000xf32>
    %div3A_82 = arith.divf %concatenate3A_80, %slice3A_56 : vector<48x16000xf32>
    %sub3A_83 = arith.subf %div3A_81, %div3A_82 : vector<48x16000xf32>
    %slice3A_84 = vector.extract_strided_slice %div3A {offsets = [0, 0], sizes = [8, 16000], strides = [1, 1]} : vector<56x16000xf32> to vector<8x16000xf32>
    %slice3A_85 = vector.extract_strided_slice %sub3A_83 {offsets = [0, 0], sizes = [8, 16000], strides = [1, 1]} : vector<48x16000xf32> to vector<8x16000xf32>
    %slice3A_86 = vector.extract_strided_slice %div3A {offsets = [16, 0], sizes = [40, 16000], strides = [1, 1]} : vector<56x16000xf32> to vector<40x16000xf32>
    %slice3A_87 = vector.extract_strided_slice %sub3A_83 {offsets = [8, 0], sizes = [40, 16000], strides = [1, 1]} : vector<48x16000xf32> to vector<40x16000xf32>
    %slice3A_88 = vector.extract_strided_slice %mul3A_15 {offsets = [16, 0], sizes = [40, 16000], strides = [1, 1]} : vector<56x16000xf32> to vector<40x16000xf32>
    %div3A_89 = arith.constant 3.000000e+00 : f32
    %div3A_90 = vector.broadcast %div3A_89 : f32 to vector<40x16000xf32>
    %div3A_91 = arith.divf %div3A_90, %slice3A_88 : vector<40x16000xf32>
    %mul3A_92 = arith.mulf %div3A_91, %slice3A_87 : vector<40x16000xf32>
    %sub3A_93 = arith.subf %mul3A_92, %slice3A_86 : vector<40x16000xf32>
    %slice3A_94 = vector.extract_strided_slice %sub3A_93 {offsets = [0, 0], sizes = [8, 16000], strides = [1, 1]} : vector<40x16000xf32> to vector<8x16000xf32>
    %slice3A_95 = vector.extract_strided_slice %slice3A_87 {offsets = [8, 0], sizes = [32, 16000], strides = [1, 1]} : vector<40x16000xf32> to vector<32x16000xf32>
    %slice3A_96 = vector.extract_strided_slice %sub3A_93 {offsets = [8, 0], sizes = [32, 16000], strides = [1, 1]} : vector<40x16000xf32> to vector<32x16000xf32>
    %slice3A_97 = vector.extract_strided_slice %mul3A_15 {offsets = [24, 0], sizes = [32, 16000], strides = [1, 1]} : vector<56x16000xf32> to vector<32x16000xf32>
    %div3A_98 = arith.constant 5.000000e+00 : f32
    %div3A_99 = vector.broadcast %div3A_98 : f32 to vector<32x16000xf32>
    %div3A_100 = arith.divf %div3A_99, %slice3A_97 : vector<32x16000xf32>
    %mul3A_101 = arith.mulf %div3A_100, %slice3A_96 : vector<32x16000xf32>
    %sub3A_102 = arith.subf %mul3A_101, %slice3A_95 : vector<32x16000xf32>
    %slice3A_103 = vector.extract_strided_slice %sub3A_102 {offsets = [0, 0], sizes = [8, 16000], strides = [1, 1]} : vector<32x16000xf32> to vector<8x16000xf32>
    %slice3A_104 = vector.extract_strided_slice %slice3A_96 {offsets = [8, 0], sizes = [24, 16000], strides = [1, 1]} : vector<32x16000xf32> to vector<24x16000xf32>
    %slice3A_105 = vector.extract_strided_slice %sub3A_102 {offsets = [8, 0], sizes = [24, 16000], strides = [1, 1]} : vector<32x16000xf32> to vector<24x16000xf32>
    %slice3A_106 = vector.extract_strided_slice %mul3A_15 {offsets = [32, 0], sizes = [24, 16000], strides = [1, 1]} : vector<56x16000xf32> to vector<24x16000xf32>
    %div3A_107 = arith.constant 7.000000e+00 : f32
    %div3A_108 = vector.broadcast %div3A_107 : f32 to vector<24x16000xf32>
    %div3A_109 = arith.divf %div3A_108, %slice3A_106 : vector<24x16000xf32>
    %mul3A_110 = arith.mulf %div3A_109, %slice3A_105 : vector<24x16000xf32>
    %sub3A_111 = arith.subf %mul3A_110, %slice3A_104 : vector<24x16000xf32>
    %slice3A_112 = vector.extract_strided_slice %sub3A_111 {offsets = [0, 0], sizes = [8, 16000], strides = [1, 1]} : vector<24x16000xf32> to vector<8x16000xf32>
    %slice3A_113 = vector.extract_strided_slice %slice3A_105 {offsets = [8, 0], sizes = [16, 16000], strides = [1, 1]} : vector<24x16000xf32> to vector<16x16000xf32>
    %slice3A_114 = vector.extract_strided_slice %sub3A_111 {offsets = [8, 0], sizes = [16, 16000], strides = [1, 1]} : vector<24x16000xf32> to vector<16x16000xf32>
    %slice3A_115 = vector.extract_strided_slice %mul3A_15 {offsets = [40, 0], sizes = [16, 16000], strides = [1, 1]} : vector<56x16000xf32> to vector<16x16000xf32>
    %div3A_116 = arith.constant 9.000000e+00 : f32
    %div3A_117 = vector.broadcast %div3A_116 : f32 to vector<16x16000xf32>
    %div3A_118 = arith.divf %div3A_117, %slice3A_115 : vector<16x16000xf32>
    %mul3A_119 = arith.mulf %div3A_118, %slice3A_114 : vector<16x16000xf32>
    %sub3A_120 = arith.subf %mul3A_119, %slice3A_113 : vector<16x16000xf32>
    %slice3A_121 = vector.extract_strided_slice %sub3A_120 {offsets = [0, 0], sizes = [8, 16000], strides = [1, 1]} : vector<16x16000xf32> to vector<8x16000xf32>
    %slice3A_122 = vector.extract_strided_slice %slice3A_114 {offsets = [8, 0], sizes = [8, 16000], strides = [1, 1]} : vector<16x16000xf32> to vector<8x16000xf32>
    %slice3A_123 = vector.extract_strided_slice %sub3A_120 {offsets = [8, 0], sizes = [8, 16000], strides = [1, 1]} : vector<16x16000xf32> to vector<8x16000xf32>
    %slice3A_124 = vector.extract_strided_slice %mul3A_15 {offsets = [48, 0], sizes = [8, 16000], strides = [1, 1]} : vector<56x16000xf32> to vector<8x16000xf32>
    %div3A_125 = arith.constant 1.100000e+01 : f32
    %div3A_126 = vector.broadcast %div3A_125 : f32 to vector<8x16000xf32>
    %div3A_127 = arith.divf %div3A_126, %slice3A_124 : vector<8x16000xf32>
    %mul3A_128 = arith.mulf %div3A_127, %slice3A_123 : vector<8x16000xf32>
    %sub3A_129 = arith.subf %mul3A_128, %slice3A_122 : vector<8x16000xf32>
    %concatenate3A_130 = tpu.concatenate %slice3A_84, %slice3A_85, %slice3A_94, %slice3A_103, %slice3A_112, %slice3A_121, %sub3A_129 in 0 : vector<8x16000xf32>, vector<8x16000xf32>, vector<8x16000xf32>, vector<8x16000xf32>, vector<8x16000xf32>, vector<8x16000xf32>, vector<8x16000xf32> -> vector<56x16000xf32>
    %mul3A_131 = vector.broadcast %get3A_4 : vector<56x1xf32> to vector<56x16000xf32>
    %mul3A_132 = arith.mulf %mul3A_131, %concatenate3A_130 : vector<56x16000xf32>
    %get3A_133 = arith.constant 0 : index
    %get3A_134 = arith.constant 0 : index
    %get3A_135 = vector.load %arg2[%get3A_133, %get3A_134] : memref<1x16000xf32, #tpu.memory_space<vmem>>, vector<1x16000xf32>
    %cos3A_136 = math.cos %get3A_135 : vector<1x16000xf32>
    %broadcast_in_dim3A = arith.constant 1.000000e+00 : f32
    %broadcast_in_dim3A_137 = vector.broadcast %broadcast_in_dim3A : f32 to vector<1x16000xf32>
    %mul3A_138 = arith.constant 3.000000e+00 : f32
    %mul3A_139 = vector.broadcast %mul3A_138 : f32 to vector<1x16000xf32>
    %mul3A_140 = arith.mulf %mul3A_139, %cos3A_136 : vector<1x16000xf32>
    %mul3A_141 = arith.mulf %mul3A_140, %cos3A_136 : vector<1x16000xf32>
    %mul3A_142 = arith.constant 1.000000e+00 : f32
    %mul3A_143 = vector.broadcast %mul3A_142 : f32 to vector<1x16000xf32>
    %mul3A_144 = arith.mulf %mul3A_143, %broadcast_in_dim3A_137 : vector<1x16000xf32>
    %sub3A_145 = arith.subf %mul3A_141, %mul3A_144 : vector<1x16000xf32>
    %div3A_146 = arith.constant 2.000000e+00 : f32
    %div3A_147 = vector.broadcast %div3A_146 : f32 to vector<1x16000xf32>
    %div3A_148 = arith.divf %sub3A_145, %div3A_147 : vector<1x16000xf32>
    %mul3A_149 = arith.constant 5.000000e+00 : f32
    %mul3A_150 = vector.broadcast %mul3A_149 : f32 to vector<1x16000xf32>
    %mul3A_151 = arith.mulf %mul3A_150, %cos3A_136 : vector<1x16000xf32>
    %mul3A_152 = arith.mulf %mul3A_151, %div3A_148 : vector<1x16000xf32>
    %mul3A_153 = arith.constant 2.000000e+00 : f32
    %mul3A_154 = vector.broadcast %mul3A_153 : f32 to vector<1x16000xf32>
    %mul3A_155 = arith.mulf %mul3A_154, %cos3A_136 : vector<1x16000xf32>
    %sub3A_156 = arith.subf %mul3A_152, %mul3A_155 : vector<1x16000xf32>
    %div3A_157 = arith.constant 3.000000e+00 : f32
    %div3A_158 = vector.broadcast %div3A_157 : f32 to vector<1x16000xf32>
    %div3A_159 = arith.divf %sub3A_156, %div3A_158 : vector<1x16000xf32>
    %mul3A_160 = arith.constant 7.000000e+00 : f32
    %mul3A_161 = vector.broadcast %mul3A_160 : f32 to vector<1x16000xf32>
    %mul3A_162 = arith.mulf %mul3A_161, %cos3A_136 : vector<1x16000xf32>
    %mul3A_163 = arith.mulf %mul3A_162, %div3A_159 : vector<1x16000xf32>
    %mul3A_164 = arith.constant 3.000000e+00 : f32
    %mul3A_165 = vector.broadcast %mul3A_164 : f32 to vector<1x16000xf32>
    %mul3A_166 = arith.mulf %mul3A_165, %div3A_148 : vector<1x16000xf32>
    %sub3A_167 = arith.subf %mul3A_163, %mul3A_166 : vector<1x16000xf32>
    %div3A_168 = arith.constant 4.000000e+00 : f32
    %div3A_169 = vector.broadcast %div3A_168 : f32 to vector<1x16000xf32>
    %div3A_170 = arith.divf %sub3A_167, %div3A_169 : vector<1x16000xf32>
    %mul3A_171 = arith.constant 9.000000e+00 : f32
    %mul3A_172 = vector.broadcast %mul3A_171 : f32 to vector<1x16000xf32>
    %mul3A_173 = arith.mulf %mul3A_172, %cos3A_136 : vector<1x16000xf32>
    %mul3A_174 = arith.mulf %mul3A_173, %div3A_170 : vector<1x16000xf32>
    %mul3A_175 = arith.constant 4.000000e+00 : f32
    %mul3A_176 = vector.broadcast %mul3A_175 : f32 to vector<1x16000xf32>
    %mul3A_177 = arith.mulf %mul3A_176, %div3A_159 : vector<1x16000xf32>
    %sub3A_178 = arith.subf %mul3A_174, %mul3A_177 : vector<1x16000xf32>
    %div3A_179 = arith.constant 5.000000e+00 : f32
    %div3A_180 = vector.broadcast %div3A_179 : f32 to vector<1x16000xf32>
    %div3A_181 = arith.divf %sub3A_178, %div3A_180 : vector<1x16000xf32>
    %mul3A_182 = arith.constant 1.100000e+01 : f32
    %mul3A_183 = vector.broadcast %mul3A_182 : f32 to vector<1x16000xf32>
    %mul3A_184 = arith.mulf %mul3A_183, %cos3A_136 : vector<1x16000xf32>
    %mul3A_185 = arith.mulf %mul3A_184, %div3A_181 : vector<1x16000xf32>
    %mul3A_186 = arith.constant 5.000000e+00 : f32
    %mul3A_187 = vector.broadcast %mul3A_186 : f32 to vector<1x16000xf32>
    %mul3A_188 = arith.mulf %mul3A_187, %div3A_170 : vector<1x16000xf32>
    %sub3A_189 = arith.subf %mul3A_185, %mul3A_188 : vector<1x16000xf32>
    %div3A_190 = arith.constant 6.000000e+00 : f32
    %div3A_191 = vector.broadcast %div3A_190 : f32 to vector<1x16000xf32>
    %div3A_192 = arith.divf %sub3A_189, %div3A_191 : vector<1x16000xf32>
    %broadcast_in_dim3A_193 = vector.shape_cast %broadcast_in_dim3A_137 : vector<1x16000xf32> to vector<1x16000xf32>
    %broadcast_in_dim3A_194 = vector.broadcast %broadcast_in_dim3A_193 : vector<1x16000xf32> to vector<8x16000xf32>
    %broadcast_in_dim3A_195 = vector.shape_cast %cos3A_136 : vector<1x16000xf32> to vector<1x16000xf32>
    %broadcast_in_dim3A_196 = vector.broadcast %broadcast_in_dim3A_195 : vector<1x16000xf32> to vector<8x16000xf32>
    %broadcast_in_dim3A_197 = vector.shape_cast %div3A_148 : vector<1x16000xf32> to vector<1x16000xf32>
    %broadcast_in_dim3A_198 = vector.broadcast %broadcast_in_dim3A_197 : vector<1x16000xf32> to vector<8x16000xf32>
    %broadcast_in_dim3A_199 = vector.shape_cast %div3A_159 : vector<1x16000xf32> to vector<1x16000xf32>
    %broadcast_in_dim3A_200 = vector.broadcast %broadcast_in_dim3A_199 : vector<1x16000xf32> to vector<8x16000xf32>
    %broadcast_in_dim3A_201 = vector.shape_cast %div3A_170 : vector<1x16000xf32> to vector<1x16000xf32>
    %broadcast_in_dim3A_202 = vector.broadcast %broadcast_in_dim3A_201 : vector<1x16000xf32> to vector<8x16000xf32>
    %broadcast_in_dim3A_203 = vector.shape_cast %div3A_181 : vector<1x16000xf32> to vector<1x16000xf32>
    %broadcast_in_dim3A_204 = vector.broadcast %broadcast_in_dim3A_203 : vector<1x16000xf32> to vector<8x16000xf32>
    %broadcast_in_dim3A_205 = vector.shape_cast %div3A_192 : vector<1x16000xf32> to vector<1x16000xf32>
    %broadcast_in_dim3A_206 = vector.broadcast %broadcast_in_dim3A_205 : vector<1x16000xf32> to vector<8x16000xf32>
    %concatenate3A_207 = tpu.concatenate %broadcast_in_dim3A_194, %broadcast_in_dim3A_196, %broadcast_in_dim3A_198, %broadcast_in_dim3A_200, %broadcast_in_dim3A_202, %broadcast_in_dim3A_204, %broadcast_in_dim3A_206 in 0 : vector<8x16000xf32>, vector<8x16000xf32>, vector<8x16000xf32>, vector<8x16000xf32>, vector<8x16000xf32>, vector<8x16000xf32>, vector<8x16000xf32> -> vector<56x16000xf32>
    %mul3A_208 = vector.broadcast %get3A_7 : vector<56x1xf32> to vector<56x16000xf32>
    %mul3A_209 = arith.mulf %mul3A_208, %concatenate3A_207 : vector<56x16000xf32>
    %div3A_210 = arith.constant 1.000000e+00 : f32
    %div3A_211 = vector.broadcast %div3A_210 : f32 to vector<1x16000xf32>
    %div3A_212 = arith.divf %div3A_211, %mul3A_12 : vector<1x16000xf32>
    %integer_pow3A = arith.mulf %mul3A_12, %mul3A_12 : vector<1x16000xf32>
    %integer_pow3A_213 = arith.mulf %integer_pow3A, %integer_pow3A : vector<1x16000xf32>
    %integer_pow3A_214 = arith.mulf %mul3A_12, %integer_pow3A_213 : vector<1x16000xf32>
    %mul3A_215 = arith.constant -2.800000e+01 : f32
    %mul3A_216 = vector.broadcast %mul3A_215 : f32 to vector<1x16000xf32>
    %mul3A_217 = arith.mulf %mul3A_216, %integer_pow3A_214 : vector<1x16000xf32>
    %add3A_218 = arith.addf %div3A_212, %mul3A_217 : vector<1x16000xf32>
    %integer_pow3A_219 = arith.mulf %mul3A_12, %mul3A_12 : vector<1x16000xf32>
    %integer_pow3A_220 = arith.mulf %integer_pow3A_219, %integer_pow3A_219 : vector<1x16000xf32>
    %integer_pow3A_221 = arith.mulf %integer_pow3A_219, %integer_pow3A_220 : vector<1x16000xf32>
    %mul3A_222 = arith.constant 4.800000e+01 : f32
    %mul3A_223 = vector.broadcast %mul3A_222 : f32 to vector<1x16000xf32>
    %mul3A_224 = arith.mulf %mul3A_223, %integer_pow3A_221 : vector<1x16000xf32>
    %add3A_225 = arith.addf %add3A_218, %mul3A_224 : vector<1x16000xf32>
    %integer_pow3A_226 = arith.mulf %mul3A_12, %mul3A_12 : vector<1x16000xf32>
    %integer_pow3A_227 = arith.mulf %mul3A_12, %integer_pow3A_226 : vector<1x16000xf32>
    %integer_pow3A_228 = arith.mulf %integer_pow3A_226, %integer_pow3A_226 : vector<1x16000xf32>
    %integer_pow3A_229 = arith.mulf %integer_pow3A_227, %integer_pow3A_228 : vector<1x16000xf32>
    %mul3A_230 = arith.constant -2.100000e+01 : f32
    %mul3A_231 = vector.broadcast %mul3A_230 : f32 to vector<1x16000xf32>
    %mul3A_232 = arith.mulf %mul3A_231, %integer_pow3A_229 : vector<1x16000xf32>
    %add3A_233 = arith.addf %add3A_225, %mul3A_232 : vector<1x16000xf32>
    %lt3A = arith.constant 1.000000e+00 : f32
    %lt3A_234 = vector.broadcast %lt3A : f32 to vector<1x16000xf32>
    %lt3A_235 = arith.cmpf olt, %mul3A_12, %lt3A_234 : vector<1x16000xf32>
    %broadcast_in_dim3A_236 = arith.constant 0.000000e+00 : f32
    %broadcast_in_dim3A_237 = vector.broadcast %broadcast_in_dim3A_236 : f32 to vector<1x16000xf32>
    %select_n3A = arith.select %lt3A_235, %add3A_233, %broadcast_in_dim3A_237 : vector<1x16000xi1>, vector<1x16000xf32>
    %mul3A_238 = vector.broadcast %select_n3A : vector<1x16000xf32> to vector<56x16000xf32>
    %mul3A_239 = arith.mulf %mul3A_238, %mul3A_132 : vector<56x16000xf32>
    %mul3A_240 = arith.mulf %mul3A_239, %mul3A_209 : vector<56x16000xf32>
    %slice3A_241 = vector.extract_strided_slice %mul3A_240 {offsets = [0, 0], sizes = [6, 16000], strides = [1, 1]} : vector<56x16000xf32> to vector<6x16000xf32>
    %slice3A_242 = vector.extract_strided_slice %mul3A_240 {offsets = [8, 0], sizes = [6, 16000], strides = [1, 1]} : vector<56x16000xf32> to vector<6x16000xf32>
    %slice3A_243 = vector.extract_strided_slice %mul3A_240 {offsets = [16, 0], sizes = [6, 16000], strides = [1, 1]} : vector<56x16000xf32> to vector<6x16000xf32>
    %slice3A_244 = vector.extract_strided_slice %mul3A_240 {offsets = [24, 0], sizes = [6, 16000], strides = [1, 1]} : vector<56x16000xf32> to vector<6x16000xf32>
    %slice3A_245 = vector.extract_strided_slice %mul3A_240 {offsets = [32, 0], sizes = [6, 16000], strides = [1, 1]} : vector<56x16000xf32> to vector<6x16000xf32>
    %slice3A_246 = vector.extract_strided_slice %mul3A_240 {offsets = [40, 0], sizes = [6, 16000], strides = [1, 1]} : vector<56x16000xf32> to vector<6x16000xf32>
    %slice3A_247 = vector.extract_strided_slice %mul3A_240 {offsets = [48, 0], sizes = [6, 16000], strides = [1, 1]} : vector<56x16000xf32> to vector<6x16000xf32>
    %slice3A_248 = vector.extract_strided_slice %mul3A_240 {offsets = [0, 0], sizes = [6, 16000], strides = [1, 1]} : vector<56x16000xf32> to vector<6x16000xf32>
    %concatenate3A_249 = tpu.concatenate %slice3A_241, %slice3A_242, %slice3A_243, %slice3A_244, %slice3A_245, %slice3A_246, %slice3A_247, %slice3A_248 in 0 : vector<6x16000xf32>, vector<6x16000xf32>, vector<6x16000xf32>, vector<6x16000xf32>, vector<6x16000xf32>, vector<6x16000xf32>, vector<6x16000xf32>, vector<6x16000xf32> -> vector<48x16000xf32>
    %transpose3A = tpu.transpose %concatenate3A_249, [1, 0] : vector<48x16000xf32> -> vector<16000x48xf32>
    %slice3A_250 = vector.extract_strided_slice %transpose3A {offsets = [0, 0], sizes = [16000, 42], strides = [1, 1]} : vector<16000x48xf32> to vector<16000x42xf32>
    %swap3A = arith.constant 0 : index
    %swap3A_251 = arith.constant 0 : index
    %swap3A_252 = vector.load %arg6[%swap3A, %swap3A_251] : memref<16000x42xf32, #tpu.memory_space<vmem>>, vector<16000x42xf32>
    tpu.vector_store %arg6[%swap3A, %swap3A_251], %slice3A_250 {strides = array<i32>} : memref<16000x42xf32, #tpu.memory_space<vmem>>, vector<16000x42xf32>,
    return
  }
  func.func @transform_0(%arg0: i32) -> (i32, i32) {
    %c0_i32 = arith.constant 0 : i32
    %c0_i32_0 = arith.constant 0 : i32
    return %c0_i32, %arg0 : i32, i32
  }
  func.func @transform_1(%arg0: i32) -> (i32, i32) {
    %c0_i32 = arith.constant 0 : i32
    %c0_i32_0 = arith.constant 0 : i32
    return %c0_i32, %arg0 : i32, i32
  }
  func.func @transform_2(%arg0: i32) -> (i32, i32) {
    %c0_i32 = arith.constant 0 : i32
    %c0_i32_0 = arith.constant 0 : i32
    %c0_i32_1 = arith.constant 0 : i32
    return %c0_i32, %c0_i32_0 : i32, i32
  }
  func.func @transform_3(%arg0: i32) -> (i32, i32) {
    %c0_i32 = arith.constant 0 : i32
    %c0_i32_0 = arith.constant 0 : i32
    %c0_i32_1 = arith.constant 0 : i32
    return %c0_i32, %c0_i32_0 : i32, i32
  }
  func.func @transform_4(%arg0: i32) -> (i32, i32) {
    %c0_i32 = arith.constant 0 : i32
    %c0_i32_0 = arith.constant 0 : i32
    %c0_i32_1 = arith.constant 0 : i32
    return %c0_i32, %c0_i32_0 : i32, i32
  }
  func.func @transform_5(%arg0: i32) -> (i32, i32) {
    %c0_i32 = arith.constant 0 : i32
    %c0_i32_0 = arith.constant 0 : i32
    return %arg0, %c0_i32 : i32, i32
  }
}

</mosaic_0001>

<sc_bundles>
// kernel: kernel.4.cloned.1.call-start
scs
__scs_entry_jumppad:
0x0: {  	(pc) =	sbr.rel $0x88, $3  }
0x1: {  	(tag) =	ssettag $0x0;
	lr =	simm.s32 $0x1  }
0x2: {  	[smem:$0x3F9E] =	sst lr;
	_ =	strace $0xD0000000  }
0x3: {  	_ = 	snop  }
0x4: {  	_ = 	snop  }
0x5: {  	_ = 	snop  }
0x6: {  	_ = 	snop  }
0x7: {  	_ = 	snop  }
__scs_overlays_trampoline_lowered:
0x8: {  	[smem:$0x3FAD] =	sst s0  }
0x9: {  	[smem:$0x3FAE] =	sst s1  }
0xa: {  	[smem:$0x3FAF] =	sst s2  }
0xb: {  	[smem:$0x3FB0] =	sst s3  }
0xc: {  	[smem:$0x3FB1] =	sst s4  }
0xd: {  	[smem:$0x3FB2] =	sst s5  }
0xe: {  	[smem:$0x3FB3] =	sst s6  }
0xf: {  	[smem:$0x3FB4] =	sst s7  }
0x10: {  	[smem:$0x3FB5] =	sst s8  }
0x11: {  	[smem:$0x3FB6] =	sst s9;
	s0 =	simm.s32 @!p0 $0x0  }
0x12: {  	s1 =	sld [smem:$0x3F9C];
	s0 =	simm.s32 @p0 $0x1  }
0x13: {  	[smem:$0x3FB7] =	sst s0;
	s0 =	simm.s32 @!p1 $0x0  }
0x14: {  	s2 =	sld [smem:$0x3F9B];
	s0 =	simm.s32 @p1 $0x1  }
0x15: {  	[smem:$0x3FB8] =	sst s0;
	s0 =	simm.s32 @!p2 $0x0  }
0x16: {  	s3 =	sld [smem:$0x3FDB];
	s0 =	simm.s32 @p2 $0x1  }
0x17: {  	s4 =	simm.s32 $0x1BF5;
	[smem:$0x3FBA] =	sst s0  }
0x18: {  	s0 =	sld [smem:$0x3F9D];
	_ =	swait.ge [sflag:s4], $0x0  }
0x19: {  	s7 =	sld [smem:$0x3F9E]  }
0x1a: {  	s8 =	sadd.s32 $0xFFFFE003, lr  }
0x1b: {  	s9 =	sadd.s32 $0xFFFFFEF7, lr;
	s5 =	simm.s32 $0xFFFFFFFF;
	p2 =	slt.u32 s8, $0xFFFFF086  }
0x1c: {  	p1 =	slt.u32 s9, $0xF7A;
	s5 =	simm.s32 @!p2 $0x0  }
0x1d: {  	s5 =	simm.s32 @p1 $0x1;
	p0 =	seq.s32 s7, s2  }
0x1e: {  	s7 =	smul.u32 @!p0 $0xF7A, s2;
	p2 =	seq.s32 @!p0 s5, $0x0  }
0x1f: {  	s9 =	smul.u32 $0xF7A, s1;
	s8 =	simm.s32 @!p0 $0x1BF5;
	p2 =	por !p2, p0  }
0x20: {  	[sflag:s8] =	ssyncset.s32 @!p0 $0xFFFFF086;
	s6 =	sadd.s32 @!p0 s3, s7;
	s7 =	simm.s32 @!p0 $0x108  }
0x21: {  	s3 =	sadd.s32 s3, s9;
	s6 =	sadd.s32 @!p0 $0x88, s6;
	s7 =	simm.s32 @p2 $0x1082  }
0x22: {  	[simem:s7], [sflag:s8] =	dma.local @!p0 [hbm:s6], $0xF7A  }
0x23: {  	s9 =	sor.u32 $0xD0000000, s2;
	s6 =	simm.s32 $0x108;
	_ =	swait.ge @!p0 [sflag:s8], $0x0  }
0x24: {  	s3 =	sadd.s32 $0x88, s3;
	s6 =	simm.s32 @!p1 $0x1082;
	[sflag:s4] =	ssyncset.s32 $0xFFFFF086  }
0x25: {  	[simem:s6], [sflag:s4] =	dma.local [hbm:s3], $0xF7A  }
0x26: {  	[smem:$0x3F9E] =	sst s1;
	(tag) =	ssettag s2;
	_ =	strace s9  }
0x27: {  	s1 =	sld [smem:$0x3FAE]  }
0x28: {  	s2 =	sld [smem:$0x3FAF]  }
0x29: {  	s4 =	sld [smem:$0x3FB1]  }
0x2a: {  	p0 =	seq.s32 s5, $0x0;
	s5 =	sld [smem:$0x3FB2]  }
0x2b: {  	s6 =	sld [smem:$0x3FB3]  }
0x2c: {  	s7 =	sld [smem:$0x3FB4]  }
0x2d: {  	s3 =	simm.s32 $0x108;
	s8 =	sld [smem:$0x3FB5]  }
0x2e: {  	s3 =	simm.s32 @!p0 $0x1082;
	s9 =	sld [smem:$0x3FB6]  }
0x2f: {  	lr =	sadd.s32 s0, s3;
	s0 =	sld [smem:$0x3FAD]  }
0x30: {  	s3 =	sld [smem:$0x3FB0]  }
0x31: {  	[smem:$0x3FB9] =	sst s10  }
0x32: {  	s10 =	sld [smem:$0x3FB7];
	_ =	sdelay $0x3  }
0x33: {  	p0 =	seq.s32 s10, $0x1;
	s10 =	sld [smem:$0x3FB9];
	_ =	sdelay $0x3  }
0x34: {  	[smem:$0x3FB9] =	sst s10  }
0x35: {  	s10 =	sld [smem:$0x3FB8];
	_ =	sdelay $0x3  }
0x36: {  	p1 =	seq.s32 s10, $0x1;
	s10 =	sld [smem:$0x3FB9];
	_ =	sdelay $0x3  }
0x37: {  	[smem:$0x3FB9] =	sst s10  }
0x38: {  	s10 =	sld [smem:$0x3FBA]  }
0x39: {  	_ = 	snop;
	(pc) =	sbr.ind lr, $3  }
0x3a: {  	_ = 	snop  }
0x3b: {  	_ = 	snop  }
0x3c: {  	p2 =	seq.s32 s10, $0x1;
	s10 =	sld [smem:$0x3FB9]  }
0x3d: {  	_ =	shalt  }
0x3e: {  	_ =	shalt  }
0x3f: {  	_ =	shalt  }
0x40: {  	_ =	shalt  }
0x41: {  	_ =	shalt  }
0x42: {  	_ =	shalt  }
0x43: {  	_ =	shalt  }
0x44: {  	_ =	shalt  }
0x45: {  	_ =	shalt  }
0x46: {  	_ =	shalt  }
0x47: {  	_ =	shalt  }
0x48: {  	_ =	shalt  }
0x49: {  	_ =	shalt  }
0x4a: {  	_ =	shalt  }
0x4b: {  	_ =	shalt  }
0x4c: {  	_ =	shalt  }
0x4d: {  	_ =	shalt  }
0x4e: {  	_ =	shalt  }
0x4f: {  	_ =	shalt  }
0x50: {  	_ =	shalt  }
0x51: {  	_ =	shalt  }
0x52: {  	_ =	shalt  }
0x53: {  	_ =	shalt  }
0x54: {  	_ =	shalt  }
0x55: {  	_ =	shalt  }
0x56: {  	_ =	shalt  }
0x57: {  	_ =	shalt  }
0x58: {  	_ =	shalt  }
0x59: {  	_ =	shalt  }
0x5a: {  	_ =	shalt  }
0x5b: {  	_ =	shalt  }
0x5c: {  	_ =	shalt  }
0x5d: {  	_ =	shalt  }
0x5e: {  	_ =	shalt  }
0x5f: {  	_ =	shalt  }
0x60: {  	_ =	shalt  }
0x61: {  	_ =	shalt  }
0x62: {  	_ =	shalt  }
0x63: {  	_ =	shalt  }
0x64: {  	_ =	shalt  }
0x65: {  	_ =	shalt  }
0x66: {  	_ =	shalt  }
0x67: {  	_ =	shalt  }
0x68: {  	_ =	shalt  }
0x69: {  	_ =	shalt  }
0x6a: {  	_ =	shalt  }
0x6b: {  	_ =	shalt  }
0x6c: {  	_ =	shalt  }
0x6d: {  	_ =	shalt  }
0x6e: {  	_ =	shalt  }
0x6f: {  	_ =	shalt  }
0x70: {  	_ =	shalt  }
0x71: {  	_ =	shalt  }
0x72: {  	_ =	shalt  }
0x73: {  	_ =	shalt  }
0x74: {  	_ =	shalt  }
0x75: {  	_ =	shalt  }
0x76: {  	_ =	shalt  }
0x77: {  	_ =	shalt  }
0x78: {  	_ =	shalt  }
0x79: {  	_ =	shalt  }
0x7a: {  	_ =	shalt  }
0x7b: {  	_ =	shalt  }
0x7c: {  	_ =	shalt  }
0x7d: {  	_ =	shalt  }
0x7e: {  	_ =	shalt  }
0x7f: {  	_ =	shalt  }
0x80: {  	_ =	shalt  }
0x81: {  	_ =	shalt  }
0x82: {  	_ =	shalt  }
0x83: {  	_ =	shalt  }
0x84: {  	_ =	shalt  }
0x85: {  	_ =	shalt  }
0x86: {  	_ =	shalt  }
0x87: {  	_ =	shalt  }
.Lfunc_end0:
.L_simem_size_0:
called_computation_lowered:
.L_overlay_start_0:
0x88: {  	s2 =	sld [smem:$0x3FD9]  }
0x89: {  	s3 =	sld [smem:$0x3FFE];
	_ =	sdelay $0x1  }
0x8a: {  	s1 =	srdreg.scid  }
0x8b: {  	s0 =	sand.u32 $0x1, s1  }
0x8c: {  	s17 =	sshll.u32 s0, $0xA;
	s2 =	sadd.s32 s3, s2  }
0x8d: {  	s2 =	sadd.s32 s2, s17  }
0x8e: {  	[smem:$0x3FC5] =	sst s2  }
0x8f: {  	_ = 	snop  }
0x90: {  	s2 =	sld [smem:$0x3FD0];
	(tm) =	ssettm $0x1  }
0x91: {  	s18 =	sld [smem:$0x3FFB];
	_ =	sdelay $0x3  }
0x92: {  	_ =	strace s18  }
0x93: {  	s3 =	sld [smem:$0x3FFC];
	_ =	sdelay $0x3  }
0x94: {  	_ =	strace s3  }
0x95: {  	s3 =	sld [smem:$0x3FFD];
	_ =	sdelay $0x3  }
0x96: {  	_ =	strace s3  }
0x97: {  	_ =	strace $0x8FFFFFFF  }
0x98: {  	s19 =	sld [smem:$0x3FDB];
	_ =	sdelay $0x1  }
0x99: {  	s4 =	simm.s32 $_scs_section_size  }
0x9a: {  	s5 =	simm.s32 $_size__tile_overlayer_lowered;
	s6 =	simm.s32 $_tile_overlayer_lowered  }
0x9b: {  	s22 =	simm.s32 $0x1BFF;
	s21 =	sshll.u32 s6, $0x1;
	s3 =	sadd.s32 s4, s19  }
0x9c: {  	s7 =	simm.s32 $0x0;
	s20 =	sshll.u32 s5, $0x1;
	s5 =	sadd.s32 s21, s3  }
0x9d: {  	[timem:s7], [sflag:s22] =	dma.local [hbm:s5], s20  }
0x9e: {  	_ =	swait.ge [sflag:s22], s20  }
0x9f: {  	s4 =	ssub.s32 $0x0, s20;
	[sflag:s22] =	ssyncset.done $0x0  }
0xa0: {  	[sflag:s22] =	ssyncadd.s32 s4;
	_ =	sdelay $0x1  }
0xa1: {  	s23 =	simm.s32 $0x1B8B  }
0xa2: {  	_ =	swait.ge [sflag:s23], $0x1  }
0xa3: {  	[sflag:s23] =	ssyncset.done $0x0  }
0xa4: {  	s25 =	simm.s32 $0x1B8E;
	s24 =	sld [smem:$0x3FFE];
	[sflag:s23] =	ssyncadd.s32 $0xFFFFFFFF  }
0xa5: {  	s26 =	simm.s32 $execute0_lowered;
	[smem:$0x3FD2] =	sst s25  }
0xa6: {  	s5 =	sshll.u32 s26, $0x1;
	_ =	strace $0x80000046;
	[dreg:$0x1] =	wrdreg $0xFFFFFFFF  }
0xa7: {  	s28 =	simm.s32 $_size_execute0_lowered;
	s3 =	sadd.s32 s3, s5;
	[dreg:$0x0] =	wrdreg $0x0  }
0xa8: {  	s5 =	sshll.u32 s28, $0x1;
	[dreg:$0x2] =	wrdreg s3  }
0xa9: {  	[dreg:$0x3] =	wrdreg s5  }
0xaa: {  	[dreg:$0x4] =	wrdreg $0xC0  }
0xab: {  	_ =	task [dreg:s7], $0x5FFFF  }
0xac: {  	[dreg:$0x1] =	wrdreg $0xFFFFFFFF  }
0xad: {  	[dreg:$0x0] =	wrdreg $0x60  }
0xae: {  	[dreg:$0x2] =	wrdreg s2  }
0xaf: {  	[dreg:$0x3] =	wrdreg s24  }
0xb0: {  	[dreg:$0x4] =	wrdreg $0x9  }
0xb1: {  	_ =	task.clear_ibuf [dreg:s7], $0x5FFFF;
	_ =	strace $0x90000046  }
0xb2: {  	s29 =	simm.s32 $0x9;
	_ =	strace $0x80000048  }
0xb3: {  	_ =	swait.ge [sflag:s29], $0x1  }
0xb4: {  	[sflag:s29] =	ssyncadd.s32 $0xFFFFFFFF  }
0xb5: {  	_ =	strace $0x90000048  }
0xb6: {  	_ =	sfence  }
0xb7: {  	s30 =	sld [smem:$0x0];
	_ =	sdelay $0x2  }
0xb8: {  	s31 =	sshll.u32 s1, $0xD;
	s1 =	sshrl.u32 s1, $0x2  }
0xb9: {  	s3 =	sand.u32 $0x4000, s31;
	s1 =	sadd.s32 s1, s30  }
0xba: {  	s0 =	sor.u32 s3, s0;
	s1 =	sshll.u32 s1, $0x11  }
0xbb: {  	s0 =	sor.u32 s1, s0  }
0xbc: {  	s0 =	sadd.s32 $0x8F2B, s0  }
0xbd: {  	[sflag:s0] =	ssyncadd.remote.s32 $0x1  }
0xbe: {  	_ =	sfence.sel $0xFFFF  }
0xbf: {  	[dreg:$0x0] =	wrdreg $0xFFFFFFFF;
	(pc) =	sbr.abs _section_cstart, $3  }
0xc0: {  	[dreg:$0x1] =	wrdreg $0xFFFFFFFF  }
0xc1: {  	_ =	task.clear_ibuf [dreg:s7], $0x2FFFF;
	_ =	strace $0x9FFFFFFF  }
0xc2: {  	(tm) =	ssettm $0x7FFFFFFF  }
0xc3: {  	_ =	shalt  }
tec
execute0_lowered:
.L_overlay_start_1:
0x0: {  	(tag) =	ssettag $0x1  }
0x1: {  	s1 =	srdreg.scid;
	s0 =	stileid.u32  }
0x2: {  	s6 =	sand.u32 $0x1, s1;
	s31 =	sshll.u32 s0, $0x1  }
0x3: {  	s2 =	rddreg [dreg:$0x0];
	s1 =	sor.u32 s6, s31  }
0x4: {  	s4 =	rddreg [dreg:$0x1];
	s3 =	simm.s32 $0x0;
	s5 =	smul.u32 $0xC35, s1  }
0x5: {  	[smem:$0x7FF] =	sst s3  }
0x6: {  	s10 =	ssub.s32 $0x2, s6;
	s1 =	rddreg [dreg:$0x2];
	s9 =	sadd.s32 s5, s4  }
0x7: {  	_ =	strace $0x80000047;
	s4 =	simm.s32 $0x2;
	s5 =	sadd.s32 $0x400, s9  }
0x8: {  	[tilespmem:s3], [sflag:$0x2] =	stream.linear.gather [hbm4b:s5+s3], $0x61A8, $0x38;
	[tilespmem:$0xC400] =	vst v63  }
0x9: {  	s7 =	simm.s32 $0x6200;
	s11 =	sshrl.u32 s10, $0x1;
	_ =	swait.ge [sflag:s4], $0x61A8  }
0xa: {  	s8 =	simm.s32 $0x1;
	s10 =	ssub.s32 s10, s11;
	[sflag:s4] =	ssyncset.done $0x0  }
0xb: {  	s6 =	simm.s32 $0x61A8;
	s10 =	smax.u32 s10, $0x1;
	[sflag:s4] =	ssyncadd.s32 $0xFFFF9E58  }
0xc: {  	[tilespmem:s7], [sflag:$0x1] =	stream.indirect.gather [hbm4b:s2+s6], $0x1, s3, s6, $0xb8;
	[tilespmem:$0xC400] =	vst v63  }
0xd: {  	p0 =	sne.s32 s10, $0x1;
	_ =	swait.ge [sflag:s8], $0x61A8  }
.Ltmp0:
0xe: {  	[sflag:s8] =	ssyncset.done $0x0;
	(pc) =	sbr.rel @!p0 .LBB2_2-.Ltmp0, $4  }
0xf: {  	s9 =	sadd.s32 $0x18C00, s9;
	[sflag:s8] =	ssyncadd.s32 $0xFFFF9E58  }
0x10: {  	[hbm4b:s9+s3] =	stream.linear.scatter [tilespmem:s7], [sflag:$0x2], $0x61A8, $0x38;
	[tilespmem:$0xC400] =	vst v63  }
0x11: {  	_ =	swait.ge [sflag:s4], $0x61A8  }
0x12: {  	s10 =	sadd.s32 $0xFFFFFFFF, s10;
	[sflag:s4] =	ssyncset.done $0x0  }
.LBB2_1:
0x13: {  	p0 =	sne.s32 s10, $0x1;
	s10 =	sadd.s32 $0xFFFFFFFF, s10;
	[sflag:s4] =	ssyncadd.s32 $0xFFFF9E58  }
0x14: {  	[tilespmem:s3], [sflag:$0x2] =	stream.linear.gather [hbm4b:s5+s3], $0x61A8, $0x38;
	[tilespmem:$0xC400] =	vst v63  }
0x15: {  	_ =	swait.ge [sflag:s4], $0x61A8  }
0x16: {  	[sflag:s4] =	ssyncset.done $0x0  }
0x17: {  	[sflag:s4] =	ssyncadd.s32 $0xFFFF9E58  }
0x18: {  	[tilespmem:s7], [sflag:$0x1] =	stream.indirect.gather [hbm4b:s2+s6], $0x1, s3, s6, $0xb8;
	[tilespmem:$0xC400] =	vst v63  }
0x19: {  	_ =	swait.ge [sflag:s8], $0x61A8  }
.Ltmp1:
0x1a: {  	[sflag:s8] =	ssyncset.done $0x0;
	(pc) =	sbr.rel @p0 .LBB2_1-.Ltmp1, $4  }
0x1b: {  	[sflag:s8] =	ssyncadd.s32 $0xFFFF9E58  }
0x1c: {  	[hbm4b:s9+s3] =	stream.linear.scatter [tilespmem:s7], [sflag:$0x2], $0x61A8, $0x38;
	[tilespmem:$0xC400] =	vst v63  }
0x1d: {  	_ =	swait.ge [sflag:s4], $0x61A8  }
0x1e: {  	[sflag:s4] =	ssyncset.done $0x0  }
.LBB2_2:
0x1f: {  	[sflag:s4] =	ssyncadd.s32 $0xFFFF9E58  }
0x20: {  	_ =	sfence.sel $0x180000  }
0x21: {  	[bflag:$0x0] =	sbarrier.arrive $0xFFFF  }
0x22: {  	p0 =	sne.s32 s0, $0x0;
	_ =	strace $0x90000047  }
0x23: {  	s0 =	sadd.s32 @!p0 $0x100000, s1;
	[bflag:$0x2] =	sbarrier.arrive $0xFFFF  }
0x24: {  	[sflag:s0] =	ssyncadd.tile.s32 @!p0 $0x1;
	_ =	shalt  }
.Lfunc_end2:
_tile_overlayer_lowered:
.L_overlay_start_2:
0x25: {  	(tag) =	ssettag $0x2  }
0x26: {  	s0 =	rddreg [dreg:$0x0];
	s2 =	stileid.u32  }
0x27: {  	s1 =	rddreg [dreg:$0x1];
	p0 =	sne.s32 s2, $0x0  }
0x28: {  	s3 =	rddreg [dreg:$0x2];
	[bflag:$0x3] =	sbarrier.arrive $0xFFFF;
	s2 =	simm.s32 @!p0 $0x1C02  }
0x29: {  	[timem:s3], [sflag:s2] =	dma.local @!p0 [hbm:s0], s1  }
0x2a: {  	s0 =	simm.s32 @!p0 $0x2  }
0x2b: {  	_ =	swait.ge @!p0 [sflag:s0], s1  }
0x2c: {  	s1 =	ssub.s32 @!p0 $0x0, s1;
	[sflag:s0] =	ssyncset.done @!p0 $0x0  }
0x2d: {  	[sflag:s0] =	ssyncadd.s32 @!p0 s1  }
0x2e: {  	[bflag:$0x3] =	sbarrier.arrive $0xFFFF  }
0x2f: {  	_ =	shalt  }

</sc_bundles>
